<compile_context>
chip_gen: v7x
topology: tpu7x:2x2x1
jax: 0.10.2.dev20260603
libtpu: 0.0.44.dev20260713+nightly
codegen_flags: <defaults>
</compile_context>

<pallas_src>
import functools

import jax
import jax.numpy as jnp
from jax import lax
from jax.experimental import pallas as pl
from jax.experimental.pallas import tpu as pltpu
from jax.experimental.pallas import tpu_sc as plsc

_N_LOC = 1000000
_BATCH = 4096
_SEQ = 200
_SEQP = 208
_NW = 32
_RPW = _BATCH // _NW
_NHALF = _RPW * _SEQP + 16
_NIDX = 2 * _NHALF
_ROW_STEPS = _SEQP // 16
_HALF_VROWS = _NHALF // 16


def _sc_body(xr_hbm, tab_hbm, out_hbm, xi_v, vals_v, out_v, sem):
    wid = lax.axis_index("c") * 16 + lax.axis_index("s")

    pltpu.sync_copy(xr_hbm.at[wid], xi_v)
    pltpu.async_copy(tab_hbm.at[xi_v], vals_v, sem).wait()

    lane = lax.iota(jnp.int32, 16)
    seam_mask = lane >= 15
    zero16 = jnp.zeros((16,), jnp.float32)

    def diff_sq(o):
        a = vals_v[pl.ds(o, 16)]
        b = vals_v[pl.ds(o + 1, 16)]
        d = a - b
        return d * d

    def inner(t, carry):
        acc, o = carry
        return (acc + diff_sq(o), o + 16)

    def outer(r, carry):
        acc, o = carry
        acc, o = lax.fori_loop(0, _ROW_STEPS - 1, inner, (acc, o))
        acc = acc + jnp.where(seam_mask, zero16, diff_sq(o))
        return (acc, o + 16)

    def half(h, acc):
        acc, _ = lax.fori_loop(0, _RPW, outer, (acc, h * _NHALF))
        return acc

    acc = lax.fori_loop(0, 2, half, zero16)

    out_v[...] = acc
    pltpu.sync_copy(out_v, out_hbm.at[wid])


@functools.partial(
    pl.kernel,
    out_type=jax.ShapeDtypeStruct((_NW, 16), jnp.float32),
    mesh=plsc.VectorSubcoreMesh(core_axis_name="c", subcore_axis_name="s"),
    scratch_types=[
        pltpu.VMEM((_NIDX,), jnp.int32),
        pltpu.VMEM((_NIDX,), jnp.float32),
        pltpu.VMEM((16,), jnp.float32),
        pltpu.SemaphoreType.DMA,
    ],
)
def _sc_distance_partials(xr_hbm, tab_hbm, out_hbm, xi_v, vals_v, out_v, sem):
    _sc_body(xr_hbm, tab_hbm, out_hbm, xi_v, vals_v, out_v, sem)


def kernel(x, geo_x, geo_y):
    tab = jnp.concatenate(
        [jnp.zeros((1,), jnp.float32), geo_x,
         jnp.zeros((1,), jnp.float32), geo_y])
    xi = x.astype(jnp.int32)
    xpad = jnp.concatenate(
        [xi, jnp.broadcast_to(xi[:, -1:], (_BATCH, _SEQP - _SEQ))], axis=1)
    xw = xpad.reshape(_NW, _RPW * _SEQP)
    xw = jnp.concatenate(
        [xw, jnp.broadcast_to(xw[:, -1:], (_NW, 16))], axis=1)
    xr = jnp.concatenate([xw, xw + jnp.int32(_N_LOC + 1)], axis=1)
    partials = _sc_distance_partials(xr, tab)
    total = jnp.sum(partials)
    return total / (jnp.float32(_BATCH * (_SEQ - 1)) * jnp.float32(1e6))

# --- scband reference (transcript-rebuilt; emitter-appended) ---
"""Pipeline reference for scband-distance-loss-15736760173081 (READ-ONLY COPY).

The authoritative reference and input builder live on the scoring server;
editing this copy changes nothing except your own understanding.
"""

import jax, jax.numpy as jnp
import numpy as np

N_LOC = 1000000
BATCH = 4096
SEQ = 200


def setup_inputs(seed: int = 0) -> dict:
    key = jax.random.key(seed)
    k1, k2, k3 = jax.random.split(key, 3)
    # location ids in [1, N_LOC]; the module subtracts 1 to get 0-based indices
    x = jax.random.randint(k1, (BATCH, SEQ), 1, N_LOC + 1, dtype=jnp.int32)
    # geo coordinate tables (constructor params built from the locations GeoDataFrame)
    geo_x = jax.random.normal(k2, (N_LOC,), dtype=jnp.float32) * 1000.0
    geo_y = jax.random.normal(k3, (N_LOC,), dtype=jnp.float32) * 1000.0
    return {"x": x, "geo_x": geo_x, "geo_y": geo_y}


def reference(x, geo_x, geo_y):
    idx = x.astype(jnp.int32) - 1
    i1 = idx[:, :-1].reshape(-1)
    i2 = idx[:, 1:].reshape(-1)
    x1 = jnp.take(geo_x, i1, axis=0)
    x2 = jnp.take(geo_x, i2, axis=0)
    y1 = jnp.take(geo_y, i1, axis=0)
    y2 = jnp.take(geo_y, i2, axis=0)
    dx = x1 - x2
    dy = y1 - y2
    loss = dx ** 2 + dy ** 2
    loss = jnp.mean(loss) / 1000000.0
    return loss

if __name__ == "__main__":
    import jax
    _d = setup_inputs()
    print(jax.jit(kernel)(*tuple(_d.values())))

</pallas_src>

<mosaic_0001>
#map = affine_map<(d0, d1) -> (0, 0)>
#map1 = affine_map<(d0, d1) -> (0)>
module attributes {stable_mosaic.version = 14 : i64} {
  func.func @_sc_distance_partials(%arg0: i32, %arg1: i32, %arg2: memref<32x53280xi32, #tpu.memory_space<hbm>>, %arg3: memref<2000002xf32, #tpu.memory_space<hbm>>, %arg4: memref<32x16xf32, #tpu.memory_space<hbm>>, %arg5: memref<53280xi32, #tpu.memory_space<vmem>>, %arg6: memref<53280xf32, #tpu.memory_space<vmem>>, %arg7: memref<16xf32, #tpu.memory_space<vmem>>, %arg8: memref<!tpu.dma_semaphore, #tpu.memory_space<semaphore_mem>>) attributes {dimension_semantics = [#tpu.dimension_semantics<core_parallel>, #tpu.dimension_semantics<subcore_parallel>], iteration_bounds = array<i64: 2, 16>, scalar_prefetch = 0 : i64, scratch_operands = 4 : i64, tpu.core_type = #tpu.core_type<sc_vector_subcore>, window_params = [{transform_indices = #map}, {transform_indices = #map1}, {transform_indices = #map}]} {
    %mul3A = arith.constant 16 : i32
    %mul3A_0 = arith.muli %arg0, %mul3A : i32
    %add3A = arith.addi %mul3A_0, %arg1 : i32
    "tpu.region"() ({
      %run_scoped3A = tpu.sem_alloc : memref<!tpu.dma_semaphore, #tpu.memory_space<semaphore_mem>>
      %dma_start3A_14 = arith.constant 0 : i32
      %dma_start3A_15 = tpu.memref_slice %arg2[%add3A, %dma_start3A_14] : memref<32x53280xi32, #tpu.memory_space<hbm>> -> memref<1x53280xi32, #tpu.memory_space<hbm>>
      %dma_start3A_16 = tpu.memref_squeeze %dma_start3A_15 : memref<1x53280xi32, #tpu.memory_space<hbm>> -> memref<53280xi32, #tpu.memory_space<hbm>>
      %dma_start3A_17 = arith.constant 0 : i32
      %dma_start3A_18 = tpu.memref_slice %arg2[%add3A, %dma_start3A_17] : memref<32x53280xi32, #tpu.memory_space<hbm>> -> memref<1x53280xi32, #tpu.memory_space<hbm>>
      %dma_start3A_19 = tpu.memref_squeeze %dma_start3A_18 : memref<1x53280xi32, #tpu.memory_space<hbm>> -> memref<53280xi32, #tpu.memory_space<hbm>>
      tpu.enqueue_dma source(%dma_start3A_19 : memref<53280xi32, #tpu.memory_space<hbm>>) target(%arg5 : memref<53280xi32, #tpu.memory_space<vmem>>) target_semaphore(%run_scoped3A : memref<!tpu.dma_semaphore, #tpu.memory_space<semaphore_mem>>)
      %dma_wait3A_20 = arith.constant 0 : i32
      %dma_wait3A_21 = tpu.memref_slice %arg2[%add3A, %dma_wait3A_20] : memref<32x53280xi32, #tpu.memory_space<hbm>> -> memref<1x53280xi32, #tpu.memory_space<hbm>>
      %dma_wait3A_22 = tpu.memref_squeeze %dma_wait3A_21 : memref<1x53280xi32, #tpu.memory_space<hbm>> -> memref<53280xi32, #tpu.memory_space<hbm>>
      %dma_wait3A_23 = arith.constant 0 : i32
      %dma_wait3A_24 = tpu.memref_slice %arg2[%add3A, %dma_wait3A_23] : memref<32x53280xi32, #tpu.memory_space<hbm>> -> memref<1x53280xi32, #tpu.memory_space<hbm>>
      %dma_wait3A_25 = tpu.memref_squeeze %dma_wait3A_24 : memref<1x53280xi32, #tpu.memory_space<hbm>> -> memref<53280xi32, #tpu.memory_space<hbm>>
      tpu.wait_dma2 semaphore(%run_scoped3A : memref<!tpu.dma_semaphore, #tpu.memory_space<semaphore_mem>>) src(%dma_wait3A_25 : memref<53280xi32, #tpu.memory_space<hbm>>) dst(%arg5 : memref<53280xi32, #tpu.memory_space<vmem>>)
      tpu.yield
    }) : () -> ()
    %dma_start3A = arith.constant 0 : i32
    %dma_start3A_1 = tpu.memref_slice %arg3[%dma_start3A] : memref<2000002xf32, #tpu.memory_space<hbm>> -> memref<2000002xf32, #tpu.memory_space<hbm>>
    tpu.enqueue_indirect_dma source(%dma_start3A_1 : memref<2000002xf32, #tpu.memory_space<hbm>>) target(%arg6 : memref<53280xf32, #tpu.memory_space<vmem>>) offsets(%arg5 : memref<53280xi32, #tpu.memory_space<vmem>>) semaphore(%arg8 : memref<!tpu.dma_semaphore, #tpu.memory_space<semaphore_mem>>)
    %dma_wait3A = arith.constant 0 : i32
    %dma_wait3A_2 = tpu.memref_slice %arg3[%dma_wait3A] : memref<2000002xf32, #tpu.memory_space<hbm>> -> memref<2000002xf32, #tpu.memory_space<hbm>>
    tpu.wait_indirect_dma semaphore(%arg8 : memref<!tpu.dma_semaphore, #tpu.memory_space<semaphore_mem>>) src(%dma_wait3A_2 : memref<2000002xf32, #tpu.memory_space<hbm>>) dst(%arg6 : memref<53280xf32, #tpu.memory_space<vmem>>)
    %iota3A = tpu.iota {dimensions = array<i32: 0>} : vector<16xi32>
    %ge3A = arith.constant 15 : i32
    %ge3A_3 = vector.broadcast %ge3A : i32 to vector<16xi32>
    %ge3A_4 = arith.cmpi sge, %iota3A, %ge3A_3 : vector<16xi32>
    %broadcast_in_dim3A = arith.constant 0.000000e+00 : f32
    %broadcast_in_dim3A_5 = vector.broadcast %broadcast_in_dim3A : f32 to vector<16xf32>
    %scan3A = arith.constant 0 : i32
    %scan3A_6 = arith.constant 2 : i32
    %scan3A_7 = arith.addi %scan3A, %scan3A_6 : i32
    %scan3A_8 = arith.constant 1 : i32
    %scan3A_9 = scf.for %scan3A_14 = %scan3A to %scan3A_7 step %scan3A_8 iter_args(%scan3A_15 = %broadcast_in_dim3A_5) -> (vector<16xf32>)  : i32 {
      %mul3A_16 = arith.constant 26640 : i32
      %mul3A_17 = arith.muli %scan3A_14, %mul3A_16 : i32
      %scan3A_18 = arith.constant 0 : i32
      %scan3A_19 = arith.constant 128 : i32
      %scan3A_20 = arith.addi %scan3A_18, %scan3A_19 : i32
      %scan3A_21 = arith.constant 1 : i32
      %scan3A_22:2 = scf.for %scan3A_24 = %scan3A_18 to %scan3A_20 step %scan3A_21 iter_args(%scan3A_25 = %scan3A_15, %scan3A_26 = %mul3A_17) -> (vector<16xf32>, i32)  : i32 {
        %scan3A_27 = arith.constant 0 : i32
        %scan3A_28 = arith.constant 12 : i32
        %scan3A_29 = arith.addi %scan3A_27, %scan3A_28 : i32
        %scan3A_30 = arith.constant 1 : i32
        %scan3A_31:2 = scf.for %scan3A_44 = %scan3A_27 to %scan3A_29 step %scan3A_30 iter_args(%scan3A_45 = %scan3A_25, %scan3A_46 = %scan3A_26) -> (vector<16xf32>, i32)  : i32 {
          %get3A_47 = arith.index_cast %scan3A_46 : i32 to index
          %get3A_48 = tpu.vector_load %arg6[%get3A_47] {strides = array<i32>} : memref<53280xf32, #tpu.memory_space<vmem>>, vector<16xf32>,
          %get3A_49 = vector.shape_cast %get3A_48 : vector<16xf32> to vector<16xf32>
          %add3A_50 = arith.constant 1 : i32
          %add3A_51 = arith.addi %scan3A_46, %add3A_50 : i32
          %get3A_52 = arith.index_cast %add3A_51 : i32 to index
          %get3A_53 = tpu.vector_load %arg6[%get3A_52] {strides = array<i32>} : memref<53280xf32, #tpu.memory_space<vmem>>, vector<16xf32>,
          %get3A_54 = vector.shape_cast %get3A_53 : vector<16xf32> to vector<16xf32>
          %sub3A_55 = arith.subf %get3A_49, %get3A_54 : vector<16xf32>
          %mul3A_56 = arith.mulf %sub3A_55, %sub3A_55 : vector<16xf32>
          %add3A_57 = arith.addf %scan3A_45, %mul3A_56 : vector<16xf32>
          %add3A_58 = arith.constant 16 : i32
          %add3A_59 = arith.addi %scan3A_46, %add3A_58 : i32
          scf.yield %add3A_57, %add3A_59 : vector<16xf32>, i32
        }
        %scan3A_32 = arith.constant 12 : i32
        %get3A = arith.index_cast %scan3A_31#1 : i32 to index
        %get3A_33 = tpu.vector_load %arg6[%get3A] {strides = array<i32>} : memref<53280xf32, #tpu.memory_space<vmem>>, vector<16xf32>,
        %get3A_34 = vector.shape_cast %get3A_33 : vector<16xf32> to vector<16xf32>
        %add3A_35 = arith.constant 1 : i32
        %add3A_36 = arith.addi %scan3A_31#1, %add3A_35 : i32
        %get3A_37 = arith.index_cast %add3A_36 : i32 to index
        %get3A_38 = tpu.vector_load %arg6[%get3A_37] {strides = array<i32>} : memref<53280xf32, #tpu.memory_space<vmem>>, vector<16xf32>,
        %get3A_39 = vector.shape_cast %get3A_38 : vector<16xf32> to vector<16xf32>
        %sub3A = arith.subf %get3A_34, %get3A_39 : vector<16xf32>
        %mul3A_40 = arith.mulf %sub3A, %sub3A : vector<16xf32>
        %select_n3A = arith.select %ge3A_4, %broadcast_in_dim3A_5, %mul3A_40 : vector<16xi1>, vector<16xf32>
        %add3A_41 = arith.addf %scan3A_31#0, %select_n3A : vector<16xf32>
        %add3A_42 = arith.constant 16 : i32
        %add3A_43 = arith.addi %scan3A_31#1, %add3A_42 : i32
        scf.yield %add3A_41, %add3A_43 : vector<16xf32>, i32
      }
      %scan3A_23 = arith.constant 128 : i32
      scf.yield %scan3A_22#0 : vector<16xf32>
    }
    %scan3A_10 = arith.constant 2 : i32
    %swap3A = arith.constant 0 : index
    %swap3A_11 = tpu.vector_load %arg7[%swap3A] {strides = array<i32>} : memref<16xf32, #tpu.memory_space<vmem>>, vector<16xf32>,
    %swap3A_12 = vector.shape_cast %swap3A_11 : vector<16xf32> to vector<16xf32>
    %swap3A_13 = vector.shape_cast %scan3A_9 : vector<16xf32> to vector<16xf32>
    tpu.vector_store %arg7[%swap3A], %swap3A_13 {strides = array<i32>} : memref<16xf32, #tpu.memory_space<vmem>>, vector<16xf32>,
    "tpu.region"() ({
      %run_scoped3A = tpu.sem_alloc : memref<!tpu.dma_semaphore, #tpu.memory_space<semaphore_mem>>
      %dma_start3A_14 = arith.constant 0 : i32
      %dma_start3A_15 = tpu.memref_slice %arg4[%add3A, %dma_start3A_14] : memref<32x16xf32, #tpu.memory_space<hbm>> -> memref<1x16xf32, #tpu.memory_space<hbm>>
      %dma_start3A_16 = tpu.memref_squeeze %dma_start3A_15 : memref<1x16xf32, #tpu.memory_space<hbm>> -> memref<16xf32, #tpu.memory_space<hbm>>
      %dma_start3A_17 = arith.constant 0 : i32
      %dma_start3A_18 = tpu.memref_slice %arg4[%add3A, %dma_start3A_17] : memref<32x16xf32, #tpu.memory_space<hbm>> -> memref<1x16xf32, #tpu.memory_space<hbm>>
      %dma_start3A_19 = tpu.memref_squeeze %dma_start3A_18 : memref<1x16xf32, #tpu.memory_space<hbm>> -> memref<16xf32, #tpu.memory_space<hbm>>
      tpu.enqueue_dma source(%arg7 : memref<16xf32, #tpu.memory_space<vmem>>) target(%dma_start3A_19 : memref<16xf32, #tpu.memory_space<hbm>>) target_semaphore(%run_scoped3A : memref<!tpu.dma_semaphore, #tpu.memory_space<semaphore_mem>>)
      %dma_wait3A_20 = arith.constant 0 : i32
      %dma_wait3A_21 = tpu.memref_slice %arg4[%add3A, %dma_wait3A_20] : memref<32x16xf32, #tpu.memory_space<hbm>> -> memref<1x16xf32, #tpu.memory_space<hbm>>
      %dma_wait3A_22 = tpu.memref_squeeze %dma_wait3A_21 : memref<1x16xf32, #tpu.memory_space<hbm>> -> memref<16xf32, #tpu.memory_space<hbm>>
      %dma_wait3A_23 = arith.constant 0 : i32
      %dma_wait3A_24 = tpu.memref_slice %arg4[%add3A, %dma_wait3A_23] : memref<32x16xf32, #tpu.memory_space<hbm>> -> memref<1x16xf32, #tpu.memory_space<hbm>>
      %dma_wait3A_25 = tpu.memref_squeeze %dma_wait3A_24 : memref<1x16xf32, #tpu.memory_space<hbm>> -> memref<16xf32, #tpu.memory_space<hbm>>
      tpu.wait_dma2 semaphore(%run_scoped3A : memref<!tpu.dma_semaphore, #tpu.memory_space<semaphore_mem>>) src(%arg7 : memref<16xf32, #tpu.memory_space<vmem>>) dst(%dma_wait3A_25 : memref<16xf32, #tpu.memory_space<hbm>>)
      tpu.yield
    }) : () -> ()
    return
  }
}

</mosaic_0001>

<sc_bundles>
// kernel: kernel.3.cloned.1.call-start
scs
__scs_entry_jumppad:
0x0: {  	(pc) =	sbr.rel $0x88, $3  }
0x1: {  	(tag) =	ssettag $0x0;
	lr =	simm.s32 $0x1  }
0x2: {  	[smem:$0x3F9E] =	sst lr;
	_ =	strace $0xD0000000  }
0x3: {  	_ = 	snop  }
0x4: {  	_ = 	snop  }
0x5: {  	_ = 	snop  }
0x6: {  	_ = 	snop  }
0x7: {  	_ = 	snop  }
__scs_overlays_trampoline_lowered:
0x8: {  	[smem:$0x3FAD] =	sst s0  }
0x9: {  	[smem:$0x3FAE] =	sst s1  }
0xa: {  	[smem:$0x3FAF] =	sst s2  }
0xb: {  	[smem:$0x3FB0] =	sst s3  }
0xc: {  	[smem:$0x3FB1] =	sst s4  }
0xd: {  	[smem:$0x3FB2] =	sst s5  }
0xe: {  	[smem:$0x3FB3] =	sst s6  }
0xf: {  	[smem:$0x3FB4] =	sst s7  }
0x10: {  	[smem:$0x3FB5] =	sst s8  }
0x11: {  	[smem:$0x3FB6] =	sst s9;
	s0 =	simm.s32 @!p0 $0x0  }
0x12: {  	s1 =	sld [smem:$0x3F9C];
	s0 =	simm.s32 @p0 $0x1  }
0x13: {  	[smem:$0x3FB7] =	sst s0;
	s0 =	simm.s32 @!p1 $0x0  }
0x14: {  	s2 =	sld [smem:$0x3F9B];
	s0 =	simm.s32 @p1 $0x1  }
0x15: {  	[smem:$0x3FB8] =	sst s0;
	s0 =	simm.s32 @!p2 $0x0  }
0x16: {  	s3 =	sld [smem:$0x3FDB];
	s0 =	simm.s32 @p2 $0x1  }
0x17: {  	s4 =	simm.s32 $0x1BF5;
	[smem:$0x3FBA] =	sst s0  }
0x18: {  	s0 =	sld [smem:$0x3F9D];
	_ =	swait.ge [sflag:s4], $0x0  }
0x19: {  	s7 =	sld [smem:$0x3F9E]  }
0x1a: {  	s8 =	sadd.s32 $0xFFFFE003, lr  }
0x1b: {  	s9 =	sadd.s32 $0xFFFFFEF7, lr;
	s5 =	simm.s32 $0xFFFFFFFF;
	p2 =	slt.u32 s8, $0xFFFFF086  }
0x1c: {  	p1 =	slt.u32 s9, $0xF7A;
	s5 =	simm.s32 @!p2 $0x0  }
0x1d: {  	s5 =	simm.s32 @p1 $0x1;
	p0 =	seq.s32 s7, s2  }
0x1e: {  	s7 =	smul.u32 @!p0 $0xF7A, s2;
	p2 =	seq.s32 @!p0 s5, $0x0  }
0x1f: {  	s9 =	smul.u32 $0xF7A, s1;
	s8 =	simm.s32 @!p0 $0x1BF5;
	p2 =	por !p2, p0  }
0x20: {  	[sflag:s8] =	ssyncset.s32 @!p0 $0xFFFFF086;
	s6 =	sadd.s32 @!p0 s3, s7;
	s7 =	simm.s32 @!p0 $0x108  }
0x21: {  	s3 =	sadd.s32 s3, s9;
	s6 =	sadd.s32 @!p0 $0x88, s6;
	s7 =	simm.s32 @p2 $0x1082  }
0x22: {  	[simem:s7], [sflag:s8] =	dma.local @!p0 [hbm:s6], $0xF7A  }
0x23: {  	s9 =	sor.u32 $0xD0000000, s2;
	s6 =	simm.s32 $0x108;
	_ =	swait.ge @!p0 [sflag:s8], $0x0  }
0x24: {  	s3 =	sadd.s32 $0x88, s3;
	s6 =	simm.s32 @!p1 $0x1082;
	[sflag:s4] =	ssyncset.s32 $0xFFFFF086  }
0x25: {  	[simem:s6], [sflag:s4] =	dma.local [hbm:s3], $0xF7A  }
0x26: {  	[smem:$0x3F9E] =	sst s1;
	(tag) =	ssettag s2;
	_ =	strace s9  }
0x27: {  	s1 =	sld [smem:$0x3FAE]  }
0x28: {  	s2 =	sld [smem:$0x3FAF]  }
0x29: {  	s4 =	sld [smem:$0x3FB1]  }
0x2a: {  	p0 =	seq.s32 s5, $0x0;
	s5 =	sld [smem:$0x3FB2]  }
0x2b: {  	s6 =	sld [smem:$0x3FB3]  }
0x2c: {  	s7 =	sld [smem:$0x3FB4]  }
0x2d: {  	s3 =	simm.s32 $0x108;
	s8 =	sld [smem:$0x3FB5]  }
0x2e: {  	s3 =	simm.s32 @!p0 $0x1082;
	s9 =	sld [smem:$0x3FB6]  }
0x2f: {  	lr =	sadd.s32 s0, s3;
	s0 =	sld [smem:$0x3FAD]  }
0x30: {  	s3 =	sld [smem:$0x3FB0]  }
0x31: {  	[smem:$0x3FB9] =	sst s10  }
0x32: {  	s10 =	sld [smem:$0x3FB7];
	_ =	sdelay $0x3  }
0x33: {  	p0 =	seq.s32 s10, $0x1;
	s10 =	sld [smem:$0x3FB9];
	_ =	sdelay $0x3  }
0x34: {  	[smem:$0x3FB9] =	sst s10  }
0x35: {  	s10 =	sld [smem:$0x3FB8];
	_ =	sdelay $0x3  }
0x36: {  	p1 =	seq.s32 s10, $0x1;
	s10 =	sld [smem:$0x3FB9];
	_ =	sdelay $0x3  }
0x37: {  	[smem:$0x3FB9] =	sst s10  }
0x38: {  	s10 =	sld [smem:$0x3FBA]  }
0x39: {  	_ = 	snop;
	(pc) =	sbr.ind lr, $3  }
0x3a: {  	_ = 	snop  }
0x3b: {  	_ = 	snop  }
0x3c: {  	p2 =	seq.s32 s10, $0x1;
	s10 =	sld [smem:$0x3FB9]  }
0x3d: {  	_ =	shalt  }
0x3e: {  	_ =	shalt  }
0x3f: {  	_ =	shalt  }
0x40: {  	_ =	shalt  }
0x41: {  	_ =	shalt  }
0x42: {  	_ =	shalt  }
0x43: {  	_ =	shalt  }
0x44: {  	_ =	shalt  }
0x45: {  	_ =	shalt  }
0x46: {  	_ =	shalt  }
0x47: {  	_ =	shalt  }
0x48: {  	_ =	shalt  }
0x49: {  	_ =	shalt  }
0x4a: {  	_ =	shalt  }
0x4b: {  	_ =	shalt  }
0x4c: {  	_ =	shalt  }
0x4d: {  	_ =	shalt  }
0x4e: {  	_ =	shalt  }
0x4f: {  	_ =	shalt  }
0x50: {  	_ =	shalt  }
0x51: {  	_ =	shalt  }
0x52: {  	_ =	shalt  }
0x53: {  	_ =	shalt  }
0x54: {  	_ =	shalt  }
0x55: {  	_ =	shalt  }
0x56: {  	_ =	shalt  }
0x57: {  	_ =	shalt  }
0x58: {  	_ =	shalt  }
0x59: {  	_ =	shalt  }
0x5a: {  	_ =	shalt  }
0x5b: {  	_ =	shalt  }
0x5c: {  	_ =	shalt  }
0x5d: {  	_ =	shalt  }
0x5e: {  	_ =	shalt  }
0x5f: {  	_ =	shalt  }
0x60: {  	_ =	shalt  }
0x61: {  	_ =	shalt  }
0x62: {  	_ =	shalt  }
0x63: {  	_ =	shalt  }
0x64: {  	_ =	shalt  }
0x65: {  	_ =	shalt  }
0x66: {  	_ =	shalt  }
0x67: {  	_ =	shalt  }
0x68: {  	_ =	shalt  }
0x69: {  	_ =	shalt  }
0x6a: {  	_ =	shalt  }
0x6b: {  	_ =	shalt  }
0x6c: {  	_ =	shalt  }
0x6d: {  	_ =	shalt  }
0x6e: {  	_ =	shalt  }
0x6f: {  	_ =	shalt  }
0x70: {  	_ =	shalt  }
0x71: {  	_ =	shalt  }
0x72: {  	_ =	shalt  }
0x73: {  	_ =	shalt  }
0x74: {  	_ =	shalt  }
0x75: {  	_ =	shalt  }
0x76: {  	_ =	shalt  }
0x77: {  	_ =	shalt  }
0x78: {  	_ =	shalt  }
0x79: {  	_ =	shalt  }
0x7a: {  	_ =	shalt  }
0x7b: {  	_ =	shalt  }
0x7c: {  	_ =	shalt  }
0x7d: {  	_ =	shalt  }
0x7e: {  	_ =	shalt  }
0x7f: {  	_ =	shalt  }
0x80: {  	_ =	shalt  }
0x81: {  	_ =	shalt  }
0x82: {  	_ =	shalt  }
0x83: {  	_ =	shalt  }
0x84: {  	_ =	shalt  }
0x85: {  	_ =	shalt  }
0x86: {  	_ =	shalt  }
0x87: {  	_ =	shalt  }
.Lfunc_end0:
.L_simem_size_0:
called_computation_lowered:
.L_overlay_start_0:
0x88: {  	s2 =	sld [smem:$0x3FD9]  }
0x89: {  	s3 =	sld [smem:$0x3FFE];
	_ =	sdelay $0x1  }
0x8a: {  	s1 =	srdreg.scid  }
0x8b: {  	s0 =	sand.u32 $0x1, s1  }
0x8c: {  	s16 =	sshll.u32 s0, $0xA;
	s2 =	sadd.s32 s3, s2  }
0x8d: {  	s2 =	sadd.s32 s2, s16  }
0x8e: {  	[smem:$0x3FC5] =	sst s2  }
0x8f: {  	_ = 	snop  }
0x90: {  	(tm) =	ssettm $0x1  }
0x91: {  	s17 =	sld [smem:$0x3FFB];
	_ =	sdelay $0x3  }
0x92: {  	_ =	strace s17  }
0x93: {  	s2 =	sld [smem:$0x3FFC];
	_ =	sdelay $0x3  }
0x94: {  	_ =	strace s2  }
0x95: {  	s2 =	sld [smem:$0x3FFD];
	_ =	sdelay $0x3  }
0x96: {  	_ =	strace s2  }
0x97: {  	_ =	strace $0x8FFFFFFF  }
0x98: {  	s18 =	sld [smem:$0x3FDB];
	_ =	sdelay $0x1  }
0x99: {  	s19 =	simm.s32 $_scs_section_size  }
0x9a: {  	s4 =	simm.s32 $_size__tile_overlayer_lowered;
	s5 =	simm.s32 $_tile_overlayer_lowered  }
0x9b: {  	s22 =	simm.s32 $0x1BFF;
	s21 =	sshll.u32 s5, $0x1;
	s2 =	sadd.s32 s19, s18  }
0x9c: {  	s6 =	simm.s32 $0x0;
	s20 =	sshll.u32 s4, $0x1;
	s4 =	sadd.s32 s21, s2  }
0x9d: {  	[timem:s6], [sflag:s22] =	dma.local [hbm:s4], s20  }
0x9e: {  	_ =	swait.ge [sflag:s22], s20  }
0x9f: {  	s3 =	ssub.s32 $0x0, s20;
	[sflag:s22] =	ssyncset.done $0x0  }
0xa0: {  	[sflag:s22] =	ssyncadd.s32 s3;
	_ =	sdelay $0x1  }
0xa1: {  	s23 =	simm.s32 $0x1B8B  }
0xa2: {  	_ =	swait.ge [sflag:s23], $0x1  }
0xa3: {  	[sflag:s23] =	ssyncset.done $0x0  }
0xa4: {  	s25 =	simm.s32 $0x1B8E;
	s24 =	sld [smem:$0x3FFE];
	[sflag:s23] =	ssyncadd.s32 $0xFFFFFFFF  }
0xa5: {  	s26 =	simm.s32 $execute0_lowered;
	[smem:$0x3FD2] =	sst s25  }
0xa6: {  	s4 =	sshll.u32 s26, $0x1;
	_ =	strace $0x80000046;
	[dreg:$0x1] =	wrdreg $0xFFFFFFFF  }
0xa7: {  	s28 =	simm.s32 $_size_execute0_lowered;
	s2 =	sadd.s32 s2, s4;
	[dreg:$0x0] =	wrdreg $0x0  }
0xa8: {  	s4 =	sshll.u32 s28, $0x1;
	[dreg:$0x2] =	wrdreg s2  }
0xa9: {  	[dreg:$0x3] =	wrdreg s4  }
0xaa: {  	[dreg:$0x4] =	wrdreg $0xC0  }
0xab: {  	_ =	task [dreg:s6], $0x5FFFF  }
0xac: {  	[dreg:$0x1] =	wrdreg $0xFFFFFFFF  }
0xad: {  	[dreg:$0x0] =	wrdreg $0x60  }
0xae: {  	[dreg:$0x2] =	wrdreg s24  }
0xaf: {  	[dreg:$0x3] =	wrdreg $0x9  }
0xb0: {  	_ =	task.clear_ibuf [dreg:s6], $0x4FFFF;
	_ =	strace $0x90000046  }
0xb1: {  	s29 =	simm.s32 $0x9;
	_ =	strace $0x80000048  }
0xb2: {  	_ =	swait.ge [sflag:s29], $0x1  }
0xb3: {  	[sflag:s29] =	ssyncadd.s32 $0xFFFFFFFF  }
0xb4: {  	_ =	strace $0x90000048  }
0xb5: {  	_ =	sfence  }
0xb6: {  	s30 =	sld [smem:$0x0];
	_ =	sdelay $0x2  }
0xb7: {  	s31 =	sshll.u32 s1, $0xD;
	s1 =	sshrl.u32 s1, $0x2  }
0xb8: {  	s3 =	sand.u32 $0x4000, s31;
	s1 =	sadd.s32 s1, s30  }
0xb9: {  	s0 =	sor.u32 s3, s0;
	s1 =	sshll.u32 s1, $0x11  }
0xba: {  	s0 =	sor.u32 s1, s0  }
0xbb: {  	s0 =	sadd.s32 $0x8F2B, s0  }
0xbc: {  	[sflag:s0] =	ssyncadd.remote.s32 $0x1  }
0xbd: {  	_ =	sfence.sel $0xFFFF  }
0xbe: {  	[dreg:$0x0] =	wrdreg $0xFFFFFFFF;
	(pc) =	sbr.abs _section_cstart, $3  }
0xbf: {  	[dreg:$0x1] =	wrdreg $0xFFFFFFFF  }
0xc0: {  	_ =	task.clear_ibuf [dreg:s6], $0x2FFFF;
	_ =	strace $0x9FFFFFFF  }
0xc1: {  	(tm) =	ssettm $0x7FFFFFFF  }
tec
execute0_lowered:
.L_overlay_start_1:
0x0: {  	(tag) =	ssettag $0x1  }
0x1: {  	s0 =	srdreg.scid;
	s5 =	rddreg [dreg:$0x0]  }
0x2: {  	s1 =	stileid.u32;
	s2 =	simm.s32 $0x0;
	s9 =	simm.s32 $0x2  }
0x3: {  	s10 =	simm.s32 $0xD020;
	s11 =	simm.s32 $0xD080;
	s4 =	sand.u32 $0x1, s0  }
0x4: {  	s12 =	simm.s32 $0x1;
	s13 =	simm.s32 $0x1A100;
	s3 =	sshll.u32 s4, $0x4  }
0x5: {  	s14 =	simm.s32 $0x0;
	s0 =	rddreg [dreg:$0x1];
	s3 =	sor.u32 s1, s3  }
0x6: {  	[smem:$0x7FF] =	sst s2;
	s6 =	sshll.u32 s1, $0x7;
	s3 =	sshrl.u32 s3, $0x3  }
0x7: {  	s6 =	sand.u32 $0x380, s6;
	s7 =	sshll.u32 s3, $0xA;
	s8 =	smul.u32 $0x68400, s3  }
0x8: {  	_ =	strace $0x80000047;
	s4 =	ssub.s32 $0x2, s4;
	s7 =	sor.u32 s6, s7  }
0x9: {  	s31 =	sshrl.u32 s4, $0x1;
	s7 =	sshrl.u32 s7, $0x3;
	s6 =	sor.u32 s6, s8  }
0xa: {  	s3 =	sadd.s32 $0x34200, s5;
	s7 =	sadd.s32 s7, s5;
	s6 =	sshrl.u32 s6, $0x3  }
0xb: {  	s8 =	ssub.s32 s4, s31;
	s4 =	sadd.s32 s5, s6;
	s5 =	sadd.s32 $0x71400, s7  }
0xc: {  	v0 =	vlaneseq.u32;
	s6 =	smax.u32 s8, $0x1;
	s7 =	simm.s32 $0x80;
	s8 =	simm.s32 $0x400  }
.LBB2_1:
0xd: {  	[tilespmem:s2], [sflag:$0x2] =	stream.strided.gather [hbm4b:s4+s7], $0xD080, s8, s7, $0x38;
	[tilespmem:$0x1A180] =	vst v63  }
0xe: {  	_ =	swait.ge [sflag:s9], $0xD080  }
0xf: {  	[sflag:s9] =	ssyncset.done $0x0  }
0x10: {  	[sflag:s9] =	ssyncadd.s32 $0xFFFF2F80  }
0x11: {  	[tilespmem:s11], [sflag:$0x1] =	stream.indirect.gather [hbm4b:s3+s10], $0x1, s2, s10, $0xb8;
	[tilespmem:$0x1A180] =	vst v63  }
0x12: {  	_ =	swait.ge [sflag:s12], $0xD020  }
0x13: {  	[sflag:s12] =	ssyncset.done $0x0  }
0x14: {  	p1 =	por $0x1, $0x1;
	v3 =	vimm.f32 $0.0e+00;
	s15 =	simm.s32 $0x0;
	[sflag:s12] =	ssyncadd.s32 $0xFFFF2FE0  }
.LBB2_2:
0x15: {  	s15 =	sshll.u32 s15, $0x2  }
0x16: {  	s15 =	sshra.s32 s15, $0x2  }
0x17: {  	s15 =	sadd.s32 $0xD0E1, s15  }
0x18: {  	v1 =	vmov s15;
	_ =	sdelay $0x3  }
0x19: {  	s16 =	simm.s32 $0x0  }
0x1a: {  	v2 =	vld.idx.msk [tilespmem:v1+s16+$0x5F ss:$0x1], $0xffff  }
0x1b: {  	v4 =	vld.idx.msk [tilespmem:v1+s16+$0xFFFFFF9F ss:$0x1], $0xffff  }
0x1c: {  	v5 =	vld.idx.msk [tilespmem:v1+s16+$0xFFFFFFA0 ss:$0x1], $0xffff  }
0x1d: {  	v6 =	vld.idx.msk [tilespmem:v1+s16+$0xFFFFFFAF ss:$0x1], $0xffff  }
0x1e: {  	v7 =	vld.idx.msk [tilespmem:v1+s16+$0xFFFFFFB0 ss:$0x1], $0xffff  }
0x1f: {  	v8 =	vld.idx.msk [tilespmem:v1+s16+$0xFFFFFFBF ss:$0x1], $0xffff  }
0x20: {  	v9 =	vld.idx.msk [tilespmem:v1+s16+$0xFFFFFFC0 ss:$0x1], $0xffff  }
0x21: {  	v10 =	vld.idx.msk [tilespmem:v1+s16+$0xFFFFFFCF ss:$0x1], $0xffff  }
0x22: {  	v11 =	vld.idx.msk [tilespmem:v1+s16+$0xFFFFFFD0 ss:$0x1], $0xffff;
	v4 =	vsub.f32 v4, v5  }
0x23: {  	v12 =	vld.idx.msk [tilespmem:v1+s16+$0xFFFFFFE0 ss:$0x1], $0xffff  }
0x24: {  	v13 =	vld.idx.msk [tilespmem:v1+s16+$0xFFFFFFF0 ss:$0x1], $0xffff;
	v6 =	vsub.f32 v6, v7;
	v4 =	vmul.f32 v4, v4  }
0x25: {  	v5 =	vld.idx.msk [tilespmem:v1+s16+$0xFFFFFFDF ss:$0x1], $0xffff  }
0x26: {  	v14 =	vld.idx.msk [tilespmem:v1+s16+$0x30 ss:$0x1], $0xffff;
	v3 =	vadd.f32 v4, v3;
	v4 =	vmul.f32 v6, v6;
	v6 =	vsub.f32 v8, v9  }
0x27: {  	v7 =	vld.idx.msk [tilespmem:v1+s16+$0xFFFFFFEF ss:$0x1], $0xffff  }
0x28: {  	v8 =	vld.idx.msk [tilespmem:v1+s16+$0xFFFFFFFF ss:$0x1], $0xffff;
	v3 =	vadd.f32 v4, v3;
	v4 =	vmul.f32 v6, v6;
	v6 =	vsub.f32 v10, v11  }
0x29: {  	v9 =	vld.idx.msk [tilespmem:v1+s16+$0x0 ss:$0x1], $0xffff  }
0x2a: {  	v5 =	vsub.f32 v5, v12;
	v10 =	vld.idx.msk [tilespmem:v1+s16+$0xF ss:$0x1], $0xffff;
	v3 =	vadd.f32 v4, v3;
	v4 =	vmul.f32 v6, v6  }
0x2b: {  	v11 =	vld.idx.msk [tilespmem:v1+s16+$0x10 ss:$0x1], $0xffff  }
0x2c: {  	v12 =	vld.idx.msk [tilespmem:v1+s16+$0x20 ss:$0x1], $0xffff;
	v3 =	vadd.f32 v4, v3;
	v4 =	vmul.f32 v5, v5;
	v5 =	vsub.f32 v7, v13  }
0x2d: {  	v6 =	vld.idx.msk [tilespmem:v1+s16+$0x1F ss:$0x1], $0xffff  }
0x2e: {  	v8 =	vsub.f32 v8, v9;
	v13 =	vld.idx.msk [tilespmem:v1+s16+$0x2F ss:$0x1], $0xffff;
	v3 =	vadd.f32 v4, v3;
	v5 =	vmul.f32 v5, v5  }
0x2f: {  	v7 =	vld.idx.msk [tilespmem:v1+s16+$0x40 ss:$0x1], $0xffff  }
0x30: {  	v9 =	vmul.f32 v8, v8;
	v10 =	vsub.f32 v10, v11;
	v8 =	vld.idx.msk [tilespmem:v1+s16+$0x50 ss:$0x1], $0xffff;
	v3 =	vadd.f32 v5, v3  }
0x31: {  	v4 =	vld.idx.msk [tilespmem:v1+s16+$0x3F ss:$0x1], $0xffff  }
0x32: {  	v10 =	vmul.f32 v10, v10;
	v6 =	vsub.f32 v6, v12;
	v5 =	vld.idx.msk [tilespmem:v1+s16+$0x4F ss:$0x1], $0xffff;
	v11 =	vadd.f32 v9, v3  }
0x33: {  	s15 =	simm.s32 $0xD0;
	v9 =	vld.idx.msk [tilespmem:v1+s16+$0x60 ss:$0x1], $0xffff  }
0x34: {  	v12 =	vsub.f32 v13, v14;
	v3 =	vld.idx.msk [tilespmem:v1+s15+$0x5F ss:$0x1], $0xffff;
	v10 =	vadd.f32 v10, v11;
	v11 =	vmul.f32 v6, v6  }
0x35: {  	p0 =	por p1, p1;
	s16 =	simm.s32 $0x680;
	v6 =	vld.idx.msk [tilespmem:v1+s15+$0xFFFFFF9F ss:$0x1], $0xffff  }
.LBB2_3:
0x36: {  	p1 =	sne.s32 s16, $0x19CC0;
	v13 =	vld.idx.msk [tilespmem:v1+s15+$0xFFFFFFA0 ss:$0x1], $0xffff;
	v10 =	vadd.f32 v11, v10;
	v11 =	vmul.f32 v12, v12;
	v4 =	vsub.f32 v4, v7  }
0x37: {  	v7 =	vld.idx.msk [tilespmem:v1+s15+$0xFFFFFFAF ss:$0x1], $0xffff  }
0x38: {  	v5 =	vsub.f32 v5, v8;
	v12 =	vld.idx.msk [tilespmem:v1+s15+$0xFFFFFFB0 ss:$0x1], $0xffff;
	v10 =	vadd.f32 v11, v10;
	v4 =	vmul.f32 v4, v4  }
0x39: {  	v9 =	vsub.f32 v2, v9;
	v8 =	vld.idx.msk [tilespmem:v1+s15+$0xFFFFFFBF ss:$0x1], $0xffff  }
0x3a: {  	v5 =	vmul.f32 v5, v5;
	v2 =	vmov v3;
	v11 =	vld.idx.msk [tilespmem:v1+s15+$0xFFFFFFC0 ss:$0x1], $0xffff;
	v4 =	vadd.f32 v4, v10  }
0x3b: {  	v9 =	vmul.f32 v9, v9;
	v3 =	vld.idx.msk [tilespmem:v1+s15+$0xFFFFFFCF ss:$0x1], $0xffff  }
0x3c: {  	vm0 =	veq.s32 v0, $0xF;
	v6 =	vsub.f32 v6, v13;
	v10 =	vld.idx.msk [tilespmem:v1+s15+$0xFFFFFFD0 ss:$0x1], $0xffff;
	v4 =	vadd.f32 v5, v4  }
0x3d: {  	v9 =	vsel vm0, $0x0, v9;
	v5 =	vld.idx.msk [tilespmem:v1+s15+$0xFFFFFFDF ss:$0x1], $0xffff  }
0x3e: {  	v6 =	vmul.f32 v6, v6;
	v7 =	vsub.f32 v7, v12;
	v12 =	vld.idx.msk [tilespmem:v1+s15+$0xFFFFFFE0 ss:$0x1], $0xffff;
	v4 =	vadd.f32 v9, v4  }
0x3f: {  	v9 =	vld.idx.msk [tilespmem:v1+s15+$0xFFFFFFEF ss:$0x1], $0xffff  }
0x40: {  	v4 =	vadd.f32 v6, v4;
	v6 =	vmul.f32 v7, v7;
	v7 =	vsub.f32 v8, v11;
	v8 =	vld.idx.msk [tilespmem:v1+s15+$0xFFFFFFF0 ss:$0x1], $0xffff  }
0x41: {  	v11 =	vld.idx.msk [tilespmem:v1+s15+$0xFFFFFFFF ss:$0x1], $0xffff  }
0x42: {  	v3 =	vsub.f32 v3, v10;
	v4 =	vadd.f32 v6, v4;
	v6 =	vmul.f32 v7, v7;
	v7 =	vld.idx.msk [tilespmem:v1+s15+$0x0 ss:$0x1], $0xffff  }
0x43: {  	v10 =	vld.idx.msk [tilespmem:v1+s15+$0xF ss:$0x1], $0xffff  }
0x44: {  	v3 =	vmul.f32 v3, v3;
	v5 =	vsub.f32 v5, v12;
	v4 =	vadd.f32 v6, v4;
	v6 =	vld.idx.msk [tilespmem:v1+s15+$0x10 ss:$0x1], $0xffff  }
0x45: {  	v12 =	vld.idx.msk [tilespmem:v1+s15+$0x1F ss:$0x1], $0xffff  }
0x46: {  	v3 =	vadd.f32 v3, v4;
	v4 =	vmul.f32 v5, v5;
	v5 =	vsub.f32 v9, v8;
	v8 =	vld.idx.msk [tilespmem:v1+s15+$0x20 ss:$0x1], $0xffff  }
0x47: {  	v13 =	vld.idx.msk [tilespmem:v1+s15+$0x2F ss:$0x1], $0xffff  }
0x48: {  	v7 =	vsub.f32 v11, v7;
	v3 =	vadd.f32 v4, v3;
	v5 =	vmul.f32 v5, v5;
	v14 =	vld.idx.msk [tilespmem:v1+s15+$0x30 ss:$0x1], $0xffff  }
0x49: {  	v4 =	vld.idx.msk [tilespmem:v1+s15+$0x3F ss:$0x1], $0xffff  }
0x4a: {  	v9 =	vmul.f32 v7, v7;
	v6 =	vsub.f32 v10, v6;
	v3 =	vadd.f32 v5, v3;
	v7 =	vld.idx.msk [tilespmem:v1+s15+$0x40 ss:$0x1], $0xffff  }
.Ltmp0:
0x4b: {  	v5 =	vld.idx.msk [tilespmem:v1+s15+$0x4F ss:$0x1], $0xffff;
	(pc) =	sbr.rel @p1 .LBB2_3-.Ltmp0, $4  }
0x4c: {  	v6 =	vmul.f32 v6, v6;
	v11 =	vsub.f32 v12, v8;
	v10 =	vadd.f32 v9, v3;
	v8 =	vld.idx.msk [tilespmem:v1+s15+$0x50 ss:$0x1], $0xffff  }
0x4d: {  	v9 =	vld.idx.msk [tilespmem:v1+s15+$0x60 ss:$0x1], $0xffff;
	s15 =	sshra.s32 s16, $0x2  }
0x4e: {  	v11 =	vmul.f32 v11, v11;
	v12 =	vsub.f32 v13, v14;
	v3 =	vld.idx.msk [tilespmem:v1+s15+$0x5F ss:$0x1], $0xffff;
	v10 =	vadd.f32 v6, v10  }
0x4f: {  	s16 =	sadd.s32 $0x340, s16;
	v6 =	vld.idx.msk [tilespmem:v1+s15+$0xFFFFFF9F ss:$0x1], $0xffff  }
0x50: {  	_ =	sdelay $0x2  }
0x51: {  	v10 =	vadd.f32 v11, v10;
	v39 =	vmul.f32 v12, v12;
	v4 =	vsub.f32 v4, v7  }
0x52: {  	v40 =	vld.idx.msk [tilespmem:v1+s15+$0xFFFFFFA0 ss:$0x1], $0xffff  }
0x53: {  	v41 =	vld.idx.msk [tilespmem:v1+s15+$0xFFFFFFAF ss:$0x1], $0xffff;
	v5 =	vsub.f32 v5, v8;
	v10 =	vadd.f32 v39, v10;
	v4 =	vmul.f32 v4, v4  }
0x54: {  	v42 =	vld.idx.msk [tilespmem:v1+s15+$0xFFFFFFB0 ss:$0x1], $0xffff;
	v2 =	vsub.f32 v2, v9  }
0x55: {  	v43 =	vld.idx.msk [tilespmem:v1+s15+$0xFFFFFFBF ss:$0x1], $0xffff;
	v5 =	vmul.f32 v5, v5;
	v4 =	vadd.f32 v4, v10  }
0x56: {  	v44 =	vld.idx.msk [tilespmem:v1+s15+$0xFFFFFFC0 ss:$0x1], $0xffff;
	v2 =	vmul.f32 v2, v2  }
0x57: {  	v45 =	vld.idx.msk [tilespmem:v1+s15+$0xFFFFFFCF ss:$0x1], $0xffff;
	v6 =	vsub.f32 v6, v40;
	v4 =	vadd.f32 v5, v4  }
0x58: {  	v5 =	vld.idx.msk [tilespmem:v1+s15+$0xFFFFFFD0 ss:$0x1], $0xffff;
	v2 =	vsel vm0, $0x0, v2  }
0x59: {  	v46 =	vld.idx.msk [tilespmem:v1+s15+$0xFFFFFFDF ss:$0x1], $0xffff;
	v8 =	vsub.f32 v41, v42;
	v6 =	vmul.f32 v6, v6;
	v2 =	vadd.f32 v2, v4  }
0x5a: {  	v4 =	vld.idx.msk [tilespmem:v1+s15+$0xFFFFFFE0 ss:$0x1], $0xffff  }
0x5b: {  	v47 =	vld.idx.msk [tilespmem:v1+s15+$0xFFFFFFEF ss:$0x1], $0xffff;
	v49 =	vsub.f32 v43, v44;
	v48 =	vmul.f32 v8, v8;
	v2 =	vadd.f32 v6, v2  }
0x5c: {  	v50 =	vld.idx.msk [tilespmem:v1+s15+$0xFFFFFFF0 ss:$0x1], $0xffff  }
0x5d: {  	v51 =	vld.idx.msk [tilespmem:v1+s15+$0xFFFFFFFF ss:$0x1], $0xffff;
	v52 =	vmul.f32 v49, v49;
	v5 =	vsub.f32 v45, v5;
	v2 =	vadd.f32 v48, v2  }
0x5e: {  	v53 =	vld.idx.msk [tilespmem:v1+s15+$0x0 ss:$0x1], $0xffff  }
0x5f: {  	v54 =	vld.idx.msk [tilespmem:v1+s15+$0xF ss:$0x1], $0xffff;
	v5 =	vmul.f32 v5, v5;
	v4 =	vsub.f32 v46, v4;
	v2 =	vadd.f32 v52, v2  }
0x60: {  	v55 =	vld.idx.msk [tilespmem:v1+s15+$0x10 ss:$0x1], $0xffff  }
0x61: {  	v56 =	vld.idx.msk [tilespmem:v1+s15+$0x1F ss:$0x1], $0xffff;
	v4 =	vmul.f32 v4, v4;
	v2 =	vadd.f32 v5, v2;
	v5 =	vsub.f32 v47, v50  }
0x62: {  	v57 =	vld.idx.msk [tilespmem:v1+s15+$0x20 ss:$0x1], $0xffff  }
0x63: {  	v58 =	vld.idx.msk [tilespmem:v1+s15+$0x2F ss:$0x1], $0xffff;
	v2 =	vadd.f32 v4, v2;
	v4 =	vmul.f32 v5, v5;
	v5 =	vsub.f32 v51, v53  }
0x64: {  	v59 =	vld.idx.msk [tilespmem:v1+s15+$0x30 ss:$0x1], $0xffff  }
0x65: {  	v60 =	vld.idx.msk [tilespmem:v1+s15+$0x3F ss:$0x1], $0xffff;
	v2 =	vadd.f32 v4, v2;
	v4 =	vmul.f32 v5, v5;
	v5 =	vsub.f32 v54, v55  }
0x66: {  	v61 =	vld.idx.msk [tilespmem:v1+s15+$0x40 ss:$0x1], $0xffff  }
0x67: {  	v62 =	vld.idx.msk [tilespmem:v1+s15+$0x4F ss:$0x1], $0xffff;
	v2 =	vadd.f32 v4, v2;
	v4 =	vmul.f32 v5, v5;
	v5 =	vsub.f32 v56, v57  }
0x68: {  	v63 =	vld.idx.msk [tilespmem:v1+s15+$0x50 ss:$0x1], $0xffff  }
0x69: {  	v1 =	vld.idx.msk [tilespmem:v1+s15+$0x60 ss:$0x1], $0xffff;
	v2 =	vadd.f32 v4, v2;
	v4 =	vmul.f32 v5, v5;
	v5 =	vsub.f32 v58, v59;
	_ =	sdelay $0x1  }
0x6a: {  	v2 =	vadd.f32 v4, v2;
	v4 =	vmul.f32 v5, v5;
	v5 =	vsub.f32 v60, v61;
	_ =	sdelay $0x1  }
0x6b: {  	v2 =	vadd.f32 v4, v2;
	v4 =	vmul.f32 v5, v5;
	v5 =	vsub.f32 v62, v63  }
0x6c: {  	v1 =	vsub.f32 v3, v1  }
.Ltmp1:
0x6d: {  	v2 =	vadd.f32 v4, v2;
	v3 =	vmul.f32 v5, v5;
	(pc) =	sbr.rel @p0 .LBB2_2-.Ltmp1, $4  }
0x6e: {  	v1 =	vmul.f32 v1, v1  }
0x6f: {  	v2 =	vadd.f32 v3, v2  }
0x70: {  	v1 =	vsel vm0, $0x0, v1  }
0x71: {  	p1 =	por $0x0, $0x0;
	s15 =	simm.s32 $0x6810;
	v3 =	vadd.f32 v1, v2  }
0x72: {  	s14 =	sadd.s32 $0x1, s14  }
0x73: {  	p0 =	sne.s32 s14, s6  }
.Ltmp2:
0x74: {  	[tilespmem:$0x1A100] =	vst v3;
	(pc) =	sbr.rel @p0 .LBB2_1-.Ltmp2, $4  }
0x75: {  	[hbm4b:s5+s2] =	stream.linear.scatter [tilespmem:s13], [sflag:$0x2], $0x80, $0x38;
	[tilespmem:$0x1A180] =	vst v63  }
0x76: {  	_ =	swait.ge [sflag:s9], $0x80  }
0x77: {  	[sflag:s9] =	ssyncset.done $0x0  }
0x78: {  	[sflag:s9] =	ssyncadd.s32 $0xFFFFFF80  }
0x79: {  	_ =	sfence.sel $0x180000  }
0x7a: {  	[bflag:$0x0] =	sbarrier.arrive $0xFFFF  }
0x7b: {  	p0 =	sne.s32 s1, $0x0;
	_ =	strace $0x90000047  }
0x7c: {  	s0 =	sadd.s32 @!p0 $0x100000, s0;
	[bflag:$0x2] =	sbarrier.arrive $0xFFFF  }
0x7d: {  	[sflag:s0] =	ssyncadd.tile.s32 @!p0 $0x1;
	_ =	shalt  }
.Lfunc_end2:
_tile_overlayer_lowered:
.L_overlay_start_2:
0x7e: {  	(tag) =	ssettag $0x2  }
0x7f: {  	s0 =	rddreg [dreg:$0x0];
	s2 =	stileid.u32  }
0x80: {  	s1 =	rddreg [dreg:$0x1];
	p0 =	sne.s32 s2, $0x0  }
0x81: {  	s3 =	rddreg [dreg:$0x2];
	[bflag:$0x3] =	sbarrier.arrive $0xFFFF;
	s2 =	simm.s32 @!p0 $0x1C02  }
0x82: {  	[timem:s3], [sflag:s2] =	dma.local @!p0 [hbm:s0], s1  }
0x83: {  	s0 =	simm.s32 @!p0 $0x2  }
0x84: {  	_ =	swait.ge @!p0 [sflag:s0], s1  }
0x85: {  	s1 =	ssub.s32 @!p0 $0x0, s1;
	[sflag:s0] =	ssyncset.done @!p0 $0x0  }
0x86: {  	[sflag:s0] =	ssyncadd.s32 @!p0 s1  }
0x87: {  	[bflag:$0x3] =	sbarrier.arrive $0xFFFF  }
0x88: {  	_ =	shalt  }

</sc_bundles>
